<compile_context>
chip_gen: v7x
topology: tpu7x:2x2x1
jax: 0.10.2.dev20260603
libtpu: 0.0.44.dev20260713+nightly
codegen_flags: <defaults>
</compile_context>

<pallas_src>
import functools

import numpy as np
import jax
import jax.numpy as jnp
from jax.experimental import pallas as pl

_K0 = np.uint32(0)
_K1 = np.uint32(42)
_KS2 = np.uint32(int(_K0) ^ int(_K1) ^ 0x1BD11BDA)

_ROTS = ((13, 15, 26, 6), (17, 29, 16, 24))
_KEY_SCHED = (
    (_K1, _KS2, np.uint32(1)),
    (_KS2, _K0, np.uint32(2)),
    (_K0, _K1, np.uint32(3)),
    (_K1, _KS2, np.uint32(4)),
    (_KS2, _K0, np.uint32(5)),
)

_LO = np.float32(np.nextafter(np.float32(-1.0), np.float32(0.0)))
_SPAN = np.float32(np.float32(1.0) - _LO)
_SQRT2 = np.float32(np.sqrt(2))

_KCAND = 256
_LIM = np.float32(0.012)
_SEC = 256
_NTOT = _KCAND + 3 * _SEC


def _threefry_bits(cnt_lo):
    x0 = jnp.zeros_like(cnt_lo) + _K0
    x1 = cnt_lo + _K1
    for i, (ka, kb, inc) in enumerate(_KEY_SCHED):
        for r in _ROTS[i % 2]:
            x0 = x0 + x1
            x1 = (x1 << np.uint32(r)) | (x1 >> np.uint32(32 - r))
            x1 = x1 ^ x0
        x0 = x0 + ka
        x1 = x1 + kb + inc
    return x0 ^ x1


def _bits_to_normal(bits):
    fb = (bits >> np.uint32(9)) | np.uint32(0x3F800000)
    f = jax.lax.bitcast_convert_type(fb, jnp.float32) - np.float32(1.0)
    u = jnp.maximum(f * _SPAN + _LO, _LO)
    return _SQRT2 * jax.lax.erf_inv(u)


def _body(tz3_ref, offs_ref, tza_ref, w_ref, out_ref, lmk_ref,
          *, bt, nv, nl):
    nl3 = 3 * nl

    b0 = pl.program_id(0) * bt
    rowbase = (b0 + jax.lax.broadcasted_iota(jnp.int32, (bt, 1), 0)) * (nv * 3)

    cnt = (rowbase + offs_ref[0][None, :]).astype(jnp.uint32)
    zn = _bits_to_normal(_threefry_bits(cnt)) * np.float32(0.001)
    d_all = tza_ref[0][None, :] + zn

    dcand = d_all[:, :_KCAND]
    dmin = jnp.min(dcand, axis=1, keepdims=True)
    dmax = jnp.max(dcand, axis=1, keepdims=True)
    denom = dmax - dmin + np.float32(1e-8)
    t_b = dmin + np.float32(0.3) * denom

    base = (tz3_ref[0][None, :] > t_b).astype(jnp.float32)
    out_ref[...] = base

    l0 = d_all[:, _KCAND:_KCAND + nl3]
    l1 = d_all[:, _KCAND + _SEC:_KCAND + _SEC + nl3]
    l2 = d_all[:, _KCAND + 2 * _SEC:_KCAND + 2 * _SEC + nl3]
    w0 = w_ref[0][None, :nl3]
    w1 = w_ref[0][None, _SEC:_SEC + nl3]
    w2 = w_ref[0][None, 2 * _SEC:2 * _SEC + nl3]
    lmk_ref[...] = l0 * w0 + l1 * w1 + l2 * w2


def _forward(vertices_template, faces, full_lmk_faces_idx, full_lmk_bary_coords,
             batch, interpret=False):
    nv = vertices_template.shape[0]
    nv3 = 3 * nv
    nl = full_lmk_faces_idx.shape[0]
    nl3 = 3 * nl
    bt = 128

    tz = vertices_template[:, 2]
    tmpl_flat = vertices_template.reshape(-1)
    faces_flat = faces.reshape(-1).astype(jnp.int32)
    bary_flat = full_lmk_bary_coords.reshape(-1).astype(jnp.float32)

    tmin0 = jnp.min(tz)
    tmax0 = jnp.max(tz)
    t0 = tmin0 + np.float32(0.3) * (tmax0 - tmin0)
    mid = np.float32(0.5) * (tmin0 + tmax0)
    half = np.float32(0.5) * (tmax0 - tmin0)
    k_ext = jnp.abs(tz - mid) - (half - _LIM)
    k_band = _LIM - jnp.abs(tz - t0)
    _, cand_idx = jax.lax.top_k(jnp.maximum(k_ext, k_band), _KCAND)
    cand_idx = cand_idx.astype(jnp.int32)

    j = jnp.arange(_NTOT, dtype=jnp.int32)
    jj = (j - _KCAND) % _SEC
    k_sec = jnp.clip((j - _KCAND) // _SEC, 0, 2)
    l_lmk = jnp.clip(jj // 3, 0, nl - 1)
    c_lmk = jj % 3
    lmk_valid = (j >= _KCAND) & (jj < nl3)
    face_id = jnp.take(full_lmk_faces_idx.astype(jnp.int32), l_lmk)
    v_lmk = jnp.take(faces_flat, face_id * 3 + k_sec)
    v_cand = jnp.take(cand_idx, jnp.clip(j, 0, _KCAND - 1))
    vidx = jnp.where(j < _KCAND, v_cand, v_lmk)
    chan = jnp.where(j < _KCAND, 2, c_lmk)
    offs = jnp.where((j < _KCAND) | lmk_valid, vidx * 3 + chan, 2)
    tza = jnp.take(tmpl_flat, offs)
    jw = jnp.arange(3 * _SEC, dtype=jnp.int32)
    w = jnp.where((jw % _SEC) < nl3,
                  jnp.take(bary_flat,
                           jnp.clip((jw % _SEC) // 3, 0, nl - 1) * 3 + jw // _SEC),
                  np.float32(0.0))
    offs = offs.reshape(1, _NTOT)
    tza = tza.reshape(1, _NTOT)
    w = w.reshape(1, 3 * _SEC)

    col_v = (jnp.arange(nv3, dtype=jnp.int32) // 3)[None, :]
    s3 = (cand_idx[:, None] == col_v).astype(jnp.bfloat16)
    mask3 = jnp.max(s3.astype(jnp.float32), axis=0, keepdims=True)
    tz3 = jnp.take(tz, col_v[0]).reshape(1, nv3)

    out, lmk = pl.pallas_call(
        functools.partial(_body, bt=bt, nv=nv, nl=nl),
        grid=(batch // bt,),
        in_specs=[
            pl.BlockSpec((1, nv3), lambda i: (0, 0)),
            pl.BlockSpec((1, _NTOT), lambda i: (0, 0)),
            pl.BlockSpec((1, _NTOT), lambda i: (0, 0)),
            pl.BlockSpec((1, 3 * _SEC), lambda i: (0, 0)),
        ],
        out_specs=[
            pl.BlockSpec((bt, nv3), lambda i: (i, 0)),
            pl.BlockSpec((bt, nl3), lambda i: (i, 0)),
        ],
        out_shape=[
            jax.ShapeDtypeStruct((batch, nv3), jnp.float32),
            jax.ShapeDtypeStruct((batch, nl3), jnp.float32),
        ],
        interpret=interpret,
    )(tz3, offs, tza, w)
    return out.reshape(batch, nv, 3), lmk.reshape(batch, nl, 3)


def kernel(shape_params, expression_params, vertices_template, faces,
           full_lmk_faces_idx, full_lmk_bary_coords):
    batch = shape_params.shape[0]
    rendered, landmarks = _forward(vertices_template, faces, full_lmk_faces_idx,
                                   full_lmk_bary_coords, batch)
    return (rendered, landmarks)

# --- scband reference (transcript-rebuilt; emitter-appended) ---
"""Pipeline reference for scband-head-template-renderer-17265768530639 (READ-ONLY COPY).

The authoritative reference and input builder live on the scoring server;
editing this copy changes nothing except your own understanding.
"""

import jax, jax.numpy as jnp
import numpy as np

NUM_VERTICES = 5023
NUM_FACES = 9976
NUM_LMK = 68
BATCH = 1024


def setup_inputs(seed: int = 0) -> dict:
    key = jax.random.key(seed)
    k1, k2, k3, k4, k5, k6 = jax.random.split(key, 6)
    shape_params = jax.random.normal(k1, (BATCH, 100), dtype=jnp.float32)
    expression_params = jax.random.normal(k2, (BATCH, 50), dtype=jnp.float32)
    # learned/loaded buffers: template mesh + landmark embedding (synthetic stand-ins)
    vertices_template = jax.random.normal(k3, (NUM_VERTICES, 3), dtype=jnp.float32)
    faces = jax.random.randint(k4, (NUM_FACES, 3), 0, NUM_VERTICES)
    full_lmk_faces_idx = jax.random.randint(k5, (NUM_LMK,), 0, NUM_FACES)
    bary = jax.random.uniform(k6, (NUM_LMK, 3), dtype=jnp.float32)
    full_lmk_bary_coords = bary / jnp.sum(bary, axis=1, keepdims=True)
    return {
        "shape_params": shape_params,
        "expression_params": expression_params,
        "vertices_template": vertices_template,
        "faces": faces,
        "full_lmk_faces_idx": full_lmk_faces_idx,
        "full_lmk_bary_coords": full_lmk_bary_coords,
    }


def reference(shape_params, expression_params, vertices_template, faces, full_lmk_faces_idx, full_lmk_bary_coords):
    B = shape_params.shape[0]
    # params_to_vertices: expand template + small noise (fixed key for determinism)
    noise = jax.random.normal(jax.random.key(42), (B, NUM_VERTICES, 3), dtype=jnp.float32) * 0.001
    deformed = jnp.broadcast_to(vertices_template[None, :, :], (B, NUM_VERTICES, 3)) + noise

    # extract_3d_landmarks('full'): gather faces by landmark idx, gather vertices by face, barycentric blend
    landmark_faces = jnp.take(faces, full_lmk_faces_idx, axis=0)  # [68, 3]
    face_vertices = deformed[:, landmark_faces]  # [B, 68, 3, 3]
    landmarks = jnp.sum(face_vertices * full_lmk_bary_coords[None, :, :, None], axis=2)  # [B, 68, 3]

    # render: default camera params (scale=1.0, translation=0)
    scale = 1.0
    translation = jnp.zeros((2,), dtype=jnp.float32)
    projected = deformed[:, :, :2] * scale + translation
    projected = projected / (jnp.max(jnp.abs(projected), axis=1, keepdims=True) + 1e-08)

    # _simple_silhouette_render
    depths = deformed[:, :, 2]
    dmin = jnp.min(depths, axis=1, keepdims=True)
    dmax = jnp.max(depths, axis=1, keepdims=True)
    depths_n = (depths - dmin) / (dmax - dmin + 1e-08)
    silhouette = (depths_n > 0.3).astype(jnp.float32)
    rendered = jnp.broadcast_to(silhouette[:, :, None], (B, NUM_VERTICES, 3))
    return (rendered, landmarks)

if __name__ == "__main__":
    import jax
    _d = setup_inputs()
    print(jax.jit(kernel)(*tuple(_d.values())))

</pallas_src>

<mosaic_0001>
module attributes {stable_mosaic.version = 14 : i64} {
  func.func @_body(%arg0: i32, %arg1: memref<1x15069xf32, #tpu.memory_space<vmem>>, %arg2: memref<1x1024xi32, #tpu.memory_space<vmem>>, %arg3: memref<1x1024xf32, #tpu.memory_space<vmem>>, %arg4: memref<1x768xf32, #tpu.memory_space<vmem>>, %arg5: memref<128x15069xf32, #tpu.memory_space<vmem>>, %arg6: memref<128x204xf32, #tpu.memory_space<vmem>>) attributes {dimension_semantics = [#tpu.dimension_semantics<arbitrary>], iteration_bounds = array<i64: 8>, scalar_prefetch = 0 : i64, scratch_operands = 0 : i64, tpu.core_type = #tpu.core_type<tc>, window_params = [{pipeline_mode = #tpu.pipeline_mode<synchronous>, transform_indices = @transform_0, window_bounds = array<i64: 1, 15069>}, {pipeline_mode = #tpu.pipeline_mode<synchronous>, transform_indices = @transform_1, window_bounds = array<i64: 1, 1024>}, {pipeline_mode = #tpu.pipeline_mode<synchronous>, transform_indices = @transform_2, window_bounds = array<i64: 1, 1024>}, {pipeline_mode = #tpu.pipeline_mode<synchronous>, transform_indices = @transform_3, window_bounds = array<i64: 1, 768>}, {transform_indices = @transform_4, window_bounds = array<i64: 128, 15069>}, {transform_indices = @transform_5, window_bounds = array<i64: 128, 204>}]} {
    %mul3A = arith.constant 128 : i32
    %mul3A_0 = arith.muli %arg0, %mul3A : i32
    %iota3A = tpu.iota {dimensions = array<i32: 0>} : vector<128x1xi32>
    %add3A = vector.broadcast %mul3A_0 : i32 to vector<128x1xi32>
    %add3A_1 = arith.addi %add3A, %iota3A : vector<128x1xi32>
    %mul3A_2 = arith.constant 15069 : i32
    %mul3A_3 = vector.broadcast %mul3A_2 : i32 to vector<128x1xi32>
    %mul3A_4 = arith.muli %add3A_1, %mul3A_3 : vector<128x1xi32>
    %get3A = arith.constant 0 : index
    %get3A_5 = arith.constant 0 : index
    %get3A_6 = vector.load %arg2[%get3A, %get3A_5] : memref<1x1024xi32, #tpu.memory_space<vmem>>, vector<1x1024xi32>
    %get3A_7 = vector.shape_cast %get3A_6 : vector<1x1024xi32> to vector<1024xi32>
    %broadcast_in_dim3A = vector.shape_cast %get3A_7 : vector<1024xi32> to vector<1x1024xi32>
    %add3A_8 = vector.broadcast %mul3A_4 : vector<128x1xi32> to vector<128x1024xi32>
    %add3A_9 = vector.broadcast %broadcast_in_dim3A : vector<1x1024xi32> to vector<128x1024xi32>
    %add3A_10 = arith.addi %add3A_8, %add3A_9 : vector<128x1024xi32>
    %broadcast_in_dim3A_11 = arith.constant 0 : i32
    %broadcast_in_dim3A_12 = vector.broadcast %broadcast_in_dim3A_11 : i32 to vector<128x1024xi32>
    %add3A_13 = arith.constant 0 : i32
    %add3A_14 = vector.broadcast %add3A_13 : i32 to vector<128x1024xi32>
    %add3A_15 = arith.addi %broadcast_in_dim3A_12, %add3A_14 : vector<128x1024xi32>
    %add3A_16 = arith.constant 42 : i32
    %add3A_17 = vector.broadcast %add3A_16 : i32 to vector<128x1024xi32>
    %add3A_18 = arith.addi %add3A_10, %add3A_17 : vector<128x1024xi32>
    %add3A_19 = arith.addi %add3A_15, %add3A_18 : vector<128x1024xi32>
    %shift_left3A = arith.constant 13 : i32
    %shift_left3A_20 = vector.broadcast %shift_left3A : i32 to vector<128x1024xi32>
    %shift_left3A_21 = arith.shli %add3A_18, %shift_left3A_20 : vector<128x1024xi32>
    %shift_right_logical3A = arith.constant 19 : i32
    %shift_right_logical3A_22 = vector.broadcast %shift_right_logical3A : i32 to vector<128x1024xi32>
    %shift_right_logical3A_23 = arith.shrui %add3A_18, %shift_right_logical3A_22 : vector<128x1024xi32>
    %or3A = arith.ori %shift_left3A_21, %shift_right_logical3A_23 : vector<128x1024xi32>
    %xor3A = arith.xori %or3A, %add3A_19 : vector<128x1024xi32>
    %add3A_24 = arith.addi %add3A_19, %xor3A : vector<128x1024xi32>
    %shift_left3A_25 = arith.constant 15 : i32
    %shift_left3A_26 = vector.broadcast %shift_left3A_25 : i32 to vector<128x1024xi32>
    %shift_left3A_27 = arith.shli %xor3A, %shift_left3A_26 : vector<128x1024xi32>
    %shift_right_logical3A_28 = arith.constant 17 : i32
    %shift_right_logical3A_29 = vector.broadcast %shift_right_logical3A_28 : i32 to vector<128x1024xi32>
    %shift_right_logical3A_30 = arith.shrui %xor3A, %shift_right_logical3A_29 : vector<128x1024xi32>
    %or3A_31 = arith.ori %shift_left3A_27, %shift_right_logical3A_30 : vector<128x1024xi32>
    %xor3A_32 = arith.xori %or3A_31, %add3A_24 : vector<128x1024xi32>
    %add3A_33 = arith.addi %add3A_24, %xor3A_32 : vector<128x1024xi32>
    %shift_left3A_34 = arith.constant 26 : i32
    %shift_left3A_35 = vector.broadcast %shift_left3A_34 : i32 to vector<128x1024xi32>
    %shift_left3A_36 = arith.shli %xor3A_32, %shift_left3A_35 : vector<128x1024xi32>
    %shift_right_logical3A_37 = arith.constant 6 : i32
    %shift_right_logical3A_38 = vector.broadcast %shift_right_logical3A_37 : i32 to vector<128x1024xi32>
    %shift_right_logical3A_39 = arith.shrui %xor3A_32, %shift_right_logical3A_38 : vector<128x1024xi32>
    %or3A_40 = arith.ori %shift_left3A_36, %shift_right_logical3A_39 : vector<128x1024xi32>
    %xor3A_41 = arith.xori %or3A_40, %add3A_33 : vector<128x1024xi32>
    %add3A_42 = arith.addi %add3A_33, %xor3A_41 : vector<128x1024xi32>
    %shift_left3A_43 = arith.constant 6 : i32
    %shift_left3A_44 = vector.broadcast %shift_left3A_43 : i32 to vector<128x1024xi32>
    %shift_left3A_45 = arith.shli %xor3A_41, %shift_left3A_44 : vector<128x1024xi32>
    %shift_right_logical3A_46 = arith.constant 26 : i32
    %shift_right_logical3A_47 = vector.broadcast %shift_right_logical3A_46 : i32 to vector<128x1024xi32>
    %shift_right_logical3A_48 = arith.shrui %xor3A_41, %shift_right_logical3A_47 : vector<128x1024xi32>
    %or3A_49 = arith.ori %shift_left3A_45, %shift_right_logical3A_48 : vector<128x1024xi32>
    %xor3A_50 = arith.xori %or3A_49, %add3A_42 : vector<128x1024xi32>
    %add3A_51 = arith.constant 42 : i32
    %add3A_52 = vector.broadcast %add3A_51 : i32 to vector<128x1024xi32>
    %add3A_53 = arith.addi %add3A_42, %add3A_52 : vector<128x1024xi32>
    %add3A_54 = arith.constant 466689008 : i32
    %add3A_55 = vector.broadcast %add3A_54 : i32 to vector<128x1024xi32>
    %add3A_56 = arith.addi %xor3A_50, %add3A_55 : vector<128x1024xi32>
    %add3A_57 = arith.constant 1 : i32
    %add3A_58 = vector.broadcast %add3A_57 : i32 to vector<128x1024xi32>
    %add3A_59 = arith.addi %add3A_56, %add3A_58 : vector<128x1024xi32>
    %add3A_60 = arith.addi %add3A_53, %add3A_59 : vector<128x1024xi32>
    %shift_left3A_61 = arith.constant 17 : i32
    %shift_left3A_62 = vector.broadcast %shift_left3A_61 : i32 to vector<128x1024xi32>
    %shift_left3A_63 = arith.shli %add3A_59, %shift_left3A_62 : vector<128x1024xi32>
    %shift_right_logical3A_64 = arith.constant 15 : i32
    %shift_right_logical3A_65 = vector.broadcast %shift_right_logical3A_64 : i32 to vector<128x1024xi32>
    %shift_right_logical3A_66 = arith.shrui %add3A_59, %shift_right_logical3A_65 : vector<128x1024xi32>
    %or3A_67 = arith.ori %shift_left3A_63, %shift_right_logical3A_66 : vector<128x1024xi32>
    %xor3A_68 = arith.xori %or3A_67, %add3A_60 : vector<128x1024xi32>
    %add3A_69 = arith.addi %add3A_60, %xor3A_68 : vector<128x1024xi32>
    %shift_left3A_70 = arith.constant 29 : i32
    %shift_left3A_71 = vector.broadcast %shift_left3A_70 : i32 to vector<128x1024xi32>
    %shift_left3A_72 = arith.shli %xor3A_68, %shift_left3A_71 : vector<128x1024xi32>
    %shift_right_logical3A_73 = arith.constant 3 : i32
    %shift_right_logical3A_74 = vector.broadcast %shift_right_logical3A_73 : i32 to vector<128x1024xi32>
    %shift_right_logical3A_75 = arith.shrui %xor3A_68, %shift_right_logical3A_74 : vector<128x1024xi32>
    %or3A_76 = arith.ori %shift_left3A_72, %shift_right_logical3A_75 : vector<128x1024xi32>
    %xor3A_77 = arith.xori %or3A_76, %add3A_69 : vector<128x1024xi32>
    %add3A_78 = arith.addi %add3A_69, %xor3A_77 : vector<128x1024xi32>
    %shift_left3A_79 = arith.constant 16 : i32
    %shift_left3A_80 = vector.broadcast %shift_left3A_79 : i32 to vector<128x1024xi32>
    %shift_left3A_81 = arith.shli %xor3A_77, %shift_left3A_80 : vector<128x1024xi32>
    %shift_right_logical3A_82 = arith.constant 16 : i32
    %shift_right_logical3A_83 = vector.broadcast %shift_right_logical3A_82 : i32 to vector<128x1024xi32>
    %shift_right_logical3A_84 = arith.shrui %xor3A_77, %shift_right_logical3A_83 : vector<128x1024xi32>
    %or3A_85 = arith.ori %shift_left3A_81, %shift_right_logical3A_84 : vector<128x1024xi32>
    %xor3A_86 = arith.xori %or3A_85, %add3A_78 : vector<128x1024xi32>
    %add3A_87 = arith.addi %add3A_78, %xor3A_86 : vector<128x1024xi32>
    %shift_left3A_88 = arith.constant 24 : i32
    %shift_left3A_89 = vector.broadcast %shift_left3A_88 : i32 to vector<128x1024xi32>
    %shift_left3A_90 = arith.shli %xor3A_86, %shift_left3A_89 : vector<128x1024xi32>
    %shift_right_logical3A_91 = arith.constant 8 : i32
    %shift_right_logical3A_92 = vector.broadcast %shift_right_logical3A_91 : i32 to vector<128x1024xi32>
    %shift_right_logical3A_93 = arith.shrui %xor3A_86, %shift_right_logical3A_92 : vector<128x1024xi32>
    %or3A_94 = arith.ori %shift_left3A_90, %shift_right_logical3A_93 : vector<128x1024xi32>
    %xor3A_95 = arith.xori %or3A_94, %add3A_87 : vector<128x1024xi32>
    %add3A_96 = arith.constant 466689008 : i32
    %add3A_97 = vector.broadcast %add3A_96 : i32 to vector<128x1024xi32>
    %add3A_98 = arith.addi %add3A_87, %add3A_97 : vector<128x1024xi32>
    %add3A_99 = arith.constant 0 : i32
    %add3A_100 = vector.broadcast %add3A_99 : i32 to vector<128x1024xi32>
    %add3A_101 = arith.addi %xor3A_95, %add3A_100 : vector<128x1024xi32>
    %add3A_102 = arith.constant 2 : i32
    %add3A_103 = vector.broadcast %add3A_102 : i32 to vector<128x1024xi32>
    %add3A_104 = arith.addi %add3A_101, %add3A_103 : vector<128x1024xi32>
    %add3A_105 = arith.addi %add3A_98, %add3A_104 : vector<128x1024xi32>
    %shift_left3A_106 = arith.constant 13 : i32
    %shift_left3A_107 = vector.broadcast %shift_left3A_106 : i32 to vector<128x1024xi32>
    %shift_left3A_108 = arith.shli %add3A_104, %shift_left3A_107 : vector<128x1024xi32>
    %shift_right_logical3A_109 = arith.constant 19 : i32
    %shift_right_logical3A_110 = vector.broadcast %shift_right_logical3A_109 : i32 to vector<128x1024xi32>
    %shift_right_logical3A_111 = arith.shrui %add3A_104, %shift_right_logical3A_110 : vector<128x1024xi32>
    %or3A_112 = arith.ori %shift_left3A_108, %shift_right_logical3A_111 : vector<128x1024xi32>
    %xor3A_113 = arith.xori %or3A_112, %add3A_105 : vector<128x1024xi32>
    %add3A_114 = arith.addi %add3A_105, %xor3A_113 : vector<128x1024xi32>
    %shift_left3A_115 = arith.constant 15 : i32
    %shift_left3A_116 = vector.broadcast %shift_left3A_115 : i32 to vector<128x1024xi32>
    %shift_left3A_117 = arith.shli %xor3A_113, %shift_left3A_116 : vector<128x1024xi32>
    %shift_right_logical3A_118 = arith.constant 17 : i32
    %shift_right_logical3A_119 = vector.broadcast %shift_right_logical3A_118 : i32 to vector<128x1024xi32>
    %shift_right_logical3A_120 = arith.shrui %xor3A_113, %shift_right_logical3A_119 : vector<128x1024xi32>
    %or3A_121 = arith.ori %shift_left3A_117, %shift_right_logical3A_120 : vector<128x1024xi32>
    %xor3A_122 = arith.xori %or3A_121, %add3A_114 : vector<128x1024xi32>
    %add3A_123 = arith.addi %add3A_114, %xor3A_122 : vector<128x1024xi32>
    %shift_left3A_124 = arith.constant 26 : i32
    %shift_left3A_125 = vector.broadcast %shift_left3A_124 : i32 to vector<128x1024xi32>
    %shift_left3A_126 = arith.shli %xor3A_122, %shift_left3A_125 : vector<128x1024xi32>
    %shift_right_logical3A_127 = arith.constant 6 : i32
    %shift_right_logical3A_128 = vector.broadcast %shift_right_logical3A_127 : i32 to vector<128x1024xi32>
    %shift_right_logical3A_129 = arith.shrui %xor3A_122, %shift_right_logical3A_128 : vector<128x1024xi32>
    %or3A_130 = arith.ori %shift_left3A_126, %shift_right_logical3A_129 : vector<128x1024xi32>
    %xor3A_131 = arith.xori %or3A_130, %add3A_123 : vector<128x1024xi32>
    %add3A_132 = arith.addi %add3A_123, %xor3A_131 : vector<128x1024xi32>
    %shift_left3A_133 = arith.constant 6 : i32
    %shift_left3A_134 = vector.broadcast %shift_left3A_133 : i32 to vector<128x1024xi32>
    %shift_left3A_135 = arith.shli %xor3A_131, %shift_left3A_134 : vector<128x1024xi32>
    %shift_right_logical3A_136 = arith.constant 26 : i32
    %shift_right_logical3A_137 = vector.broadcast %shift_right_logical3A_136 : i32 to vector<128x1024xi32>
    %shift_right_logical3A_138 = arith.shrui %xor3A_131, %shift_right_logical3A_137 : vector<128x1024xi32>
    %or3A_139 = arith.ori %shift_left3A_135, %shift_right_logical3A_138 : vector<128x1024xi32>
    %xor3A_140 = arith.xori %or3A_139, %add3A_132 : vector<128x1024xi32>
    %add3A_141 = arith.constant 0 : i32
    %add3A_142 = vector.broadcast %add3A_141 : i32 to vector<128x1024xi32>
    %add3A_143 = arith.addi %add3A_132, %add3A_142 : vector<128x1024xi32>
    %add3A_144 = arith.constant 42 : i32
    %add3A_145 = vector.broadcast %add3A_144 : i32 to vector<128x1024xi32>
    %add3A_146 = arith.addi %xor3A_140, %add3A_145 : vector<128x1024xi32>
    %add3A_147 = arith.constant 3 : i32
    %add3A_148 = vector.broadcast %add3A_147 : i32 to vector<128x1024xi32>
    %add3A_149 = arith.addi %add3A_146, %add3A_148 : vector<128x1024xi32>
    %add3A_150 = arith.addi %add3A_143, %add3A_149 : vector<128x1024xi32>
    %shift_left3A_151 = arith.constant 17 : i32
    %shift_left3A_152 = vector.broadcast %shift_left3A_151 : i32 to vector<128x1024xi32>
    %shift_left3A_153 = arith.shli %add3A_149, %shift_left3A_152 : vector<128x1024xi32>
    %shift_right_logical3A_154 = arith.constant 15 : i32
    %shift_right_logical3A_155 = vector.broadcast %shift_right_logical3A_154 : i32 to vector<128x1024xi32>
    %shift_right_logical3A_156 = arith.shrui %add3A_149, %shift_right_logical3A_155 : vector<128x1024xi32>
    %or3A_157 = arith.ori %shift_left3A_153, %shift_right_logical3A_156 : vector<128x1024xi32>
    %xor3A_158 = arith.xori %or3A_157, %add3A_150 : vector<128x1024xi32>
    %add3A_159 = arith.addi %add3A_150, %xor3A_158 : vector<128x1024xi32>
    %shift_left3A_160 = arith.constant 29 : i32
    %shift_left3A_161 = vector.broadcast %shift_left3A_160 : i32 to vector<128x1024xi32>
    %shift_left3A_162 = arith.shli %xor3A_158, %shift_left3A_161 : vector<128x1024xi32>
    %shift_right_logical3A_163 = arith.constant 3 : i32
    %shift_right_logical3A_164 = vector.broadcast %shift_right_logical3A_163 : i32 to vector<128x1024xi32>
    %shift_right_logical3A_165 = arith.shrui %xor3A_158, %shift_right_logical3A_164 : vector<128x1024xi32>
    %or3A_166 = arith.ori %shift_left3A_162, %shift_right_logical3A_165 : vector<128x1024xi32>
    %xor3A_167 = arith.xori %or3A_166, %add3A_159 : vector<128x1024xi32>
    %add3A_168 = arith.addi %add3A_159, %xor3A_167 : vector<128x1024xi32>
    %shift_left3A_169 = arith.constant 16 : i32
    %shift_left3A_170 = vector.broadcast %shift_left3A_169 : i32 to vector<128x1024xi32>
    %shift_left3A_171 = arith.shli %xor3A_167, %shift_left3A_170 : vector<128x1024xi32>
    %shift_right_logical3A_172 = arith.constant 16 : i32
    %shift_right_logical3A_173 = vector.broadcast %shift_right_logical3A_172 : i32 to vector<128x1024xi32>
    %shift_right_logical3A_174 = arith.shrui %xor3A_167, %shift_right_logical3A_173 : vector<128x1024xi32>
    %or3A_175 = arith.ori %shift_left3A_171, %shift_right_logical3A_174 : vector<128x1024xi32>
    %xor3A_176 = arith.xori %or3A_175, %add3A_168 : vector<128x1024xi32>
    %add3A_177 = arith.addi %add3A_168, %xor3A_176 : vector<128x1024xi32>
    %shift_left3A_178 = arith.constant 24 : i32
    %shift_left3A_179 = vector.broadcast %shift_left3A_178 : i32 to vector<128x1024xi32>
    %shift_left3A_180 = arith.shli %xor3A_176, %shift_left3A_179 : vector<128x1024xi32>
    %shift_right_logical3A_181 = arith.constant 8 : i32
    %shift_right_logical3A_182 = vector.broadcast %shift_right_logical3A_181 : i32 to vector<128x1024xi32>
    %shift_right_logical3A_183 = arith.shrui %xor3A_176, %shift_right_logical3A_182 : vector<128x1024xi32>
    %or3A_184 = arith.ori %shift_left3A_180, %shift_right_logical3A_183 : vector<128x1024xi32>
    %xor3A_185 = arith.xori %or3A_184, %add3A_177 : vector<128x1024xi32>
    %add3A_186 = arith.constant 42 : i32
    %add3A_187 = vector.broadcast %add3A_186 : i32 to vector<128x1024xi32>
    %add3A_188 = arith.addi %add3A_177, %add3A_187 : vector<128x1024xi32>
    %add3A_189 = arith.constant 466689008 : i32
    %add3A_190 = vector.broadcast %add3A_189 : i32 to vector<128x1024xi32>
    %add3A_191 = arith.addi %xor3A_185, %add3A_190 : vector<128x1024xi32>
    %add3A_192 = arith.constant 4 : i32
    %add3A_193 = vector.broadcast %add3A_192 : i32 to vector<128x1024xi32>
    %add3A_194 = arith.addi %add3A_191, %add3A_193 : vector<128x1024xi32>
    %add3A_195 = arith.addi %add3A_188, %add3A_194 : vector<128x1024xi32>
    %shift_left3A_196 = arith.constant 13 : i32
    %shift_left3A_197 = vector.broadcast %shift_left3A_196 : i32 to vector<128x1024xi32>
    %shift_left3A_198 = arith.shli %add3A_194, %shift_left3A_197 : vector<128x1024xi32>
    %shift_right_logical3A_199 = arith.constant 19 : i32
    %shift_right_logical3A_200 = vector.broadcast %shift_right_logical3A_199 : i32 to vector<128x1024xi32>
    %shift_right_logical3A_201 = arith.shrui %add3A_194, %shift_right_logical3A_200 : vector<128x1024xi32>
    %or3A_202 = arith.ori %shift_left3A_198, %shift_right_logical3A_201 : vector<128x1024xi32>
    %xor3A_203 = arith.xori %or3A_202, %add3A_195 : vector<128x1024xi32>
    %add3A_204 = arith.addi %add3A_195, %xor3A_203 : vector<128x1024xi32>
    %shift_left3A_205 = arith.constant 15 : i32
    %shift_left3A_206 = vector.broadcast %shift_left3A_205 : i32 to vector<128x1024xi32>
    %shift_left3A_207 = arith.shli %xor3A_203, %shift_left3A_206 : vector<128x1024xi32>
    %shift_right_logical3A_208 = arith.constant 17 : i32
    %shift_right_logical3A_209 = vector.broadcast %shift_right_logical3A_208 : i32 to vector<128x1024xi32>
    %shift_right_logical3A_210 = arith.shrui %xor3A_203, %shift_right_logical3A_209 : vector<128x1024xi32>
    %or3A_211 = arith.ori %shift_left3A_207, %shift_right_logical3A_210 : vector<128x1024xi32>
    %xor3A_212 = arith.xori %or3A_211, %add3A_204 : vector<128x1024xi32>
    %add3A_213 = arith.addi %add3A_204, %xor3A_212 : vector<128x1024xi32>
    %shift_left3A_214 = arith.constant 26 : i32
    %shift_left3A_215 = vector.broadcast %shift_left3A_214 : i32 to vector<128x1024xi32>
    %shift_left3A_216 = arith.shli %xor3A_212, %shift_left3A_215 : vector<128x1024xi32>
    %shift_right_logical3A_217 = arith.constant 6 : i32
    %shift_right_logical3A_218 = vector.broadcast %shift_right_logical3A_217 : i32 to vector<128x1024xi32>
    %shift_right_logical3A_219 = arith.shrui %xor3A_212, %shift_right_logical3A_218 : vector<128x1024xi32>
    %or3A_220 = arith.ori %shift_left3A_216, %shift_right_logical3A_219 : vector<128x1024xi32>
    %xor3A_221 = arith.xori %or3A_220, %add3A_213 : vector<128x1024xi32>
    %add3A_222 = arith.addi %add3A_213, %xor3A_221 : vector<128x1024xi32>
    %shift_left3A_223 = arith.constant 6 : i32
    %shift_left3A_224 = vector.broadcast %shift_left3A_223 : i32 to vector<128x1024xi32>
    %shift_left3A_225 = arith.shli %xor3A_221, %shift_left3A_224 : vector<128x1024xi32>
    %shift_right_logical3A_226 = arith.constant 26 : i32
    %shift_right_logical3A_227 = vector.broadcast %shift_right_logical3A_226 : i32 to vector<128x1024xi32>
    %shift_right_logical3A_228 = arith.shrui %xor3A_221, %shift_right_logical3A_227 : vector<128x1024xi32>
    %or3A_229 = arith.ori %shift_left3A_225, %shift_right_logical3A_228 : vector<128x1024xi32>
    %xor3A_230 = arith.xori %or3A_229, %add3A_222 : vector<128x1024xi32>
    %add3A_231 = arith.constant 466689008 : i32
    %add3A_232 = vector.broadcast %add3A_231 : i32 to vector<128x1024xi32>
    %add3A_233 = arith.addi %add3A_222, %add3A_232 : vector<128x1024xi32>
    %add3A_234 = arith.constant 0 : i32
    %add3A_235 = vector.broadcast %add3A_234 : i32 to vector<128x1024xi32>
    %add3A_236 = arith.addi %xor3A_230, %add3A_235 : vector<128x1024xi32>
    %add3A_237 = arith.constant 5 : i32
    %add3A_238 = vector.broadcast %add3A_237 : i32 to vector<128x1024xi32>
    %add3A_239 = arith.addi %add3A_236, %add3A_238 : vector<128x1024xi32>
    %xor3A_240 = arith.xori %add3A_233, %add3A_239 : vector<128x1024xi32>
    %shift_right_logical3A_241 = arith.constant 9 : i32
    %shift_right_logical3A_242 = vector.broadcast %shift_right_logical3A_241 : i32 to vector<128x1024xi32>
    %shift_right_logical3A_243 = arith.shrui %xor3A_240, %shift_right_logical3A_242 : vector<128x1024xi32>
    %or3A_244 = arith.constant 1065353216 : i32
    %or3A_245 = vector.broadcast %or3A_244 : i32 to vector<128x1024xi32>
    %or3A_246 = arith.ori %shift_right_logical3A_243, %or3A_245 : vector<128x1024xi32>
    %bitcast_convert_type3A = tpu.bitcast %or3A_246 : vector<128x1024xi32> -> vector<128x1024xf32>
    %sub3A = arith.constant 1.000000e+00 : f32
    %sub3A_247 = vector.broadcast %sub3A : f32 to vector<128x1024xf32>
    %sub3A_248 = arith.subf %bitcast_convert_type3A, %sub3A_247 : vector<128x1024xf32>
    %mul3A_249 = arith.constant 2.000000e+00 : f32
    %mul3A_250 = vector.broadcast %mul3A_249 : f32 to vector<128x1024xf32>
    %mul3A_251 = arith.mulf %sub3A_248, %mul3A_250 : vector<128x1024xf32>
    %add3A_252 = arith.constant -0.99999994 : f32
    %add3A_253 = vector.broadcast %add3A_252 : f32 to vector<128x1024xf32>
    %add3A_254 = arith.addf %mul3A_251, %add3A_253 : vector<128x1024xf32>
    %max3A = arith.constant -0.99999994 : f32
    %max3A_255 = vector.broadcast %max3A : f32 to vector<128x1024xf32>
    %max3A_256 = arith.maximumf %add3A_254, %max3A_255 : vector<128x1024xf32>
    %erf_inv3A = arith.constant 0.000000e+00 : f32
    %erf_inv3A_257 = vector.broadcast %erf_inv3A : f32 to vector<128x1024xf32>
    %erf_inv3A_258 = arith.subf %erf_inv3A_257, %max3A_256 : vector<128x1024xf32>
    %erf_inv3A_259 = arith.mulf %max3A_256, %erf_inv3A_258 : vector<128x1024xf32>
    %erf_inv3A_260 = math.log1p %erf_inv3A_259 : vector<128x1024xf32>
    %erf_inv3A_261 = arith.constant 0.000000e+00 : f32
    %erf_inv3A_262 = vector.broadcast %erf_inv3A_261 : f32 to vector<128x1024xf32>
    %erf_inv3A_263 = arith.subf %erf_inv3A_262, %erf_inv3A_260 : vector<128x1024xf32>
    %erf_inv3A_264 = arith.constant 5.000000e+00 : f32
    %erf_inv3A_265 = vector.broadcast %erf_inv3A_264 : f32 to vector<128x1024xf32>
    %erf_inv3A_266 = arith.cmpf olt, %erf_inv3A_263, %erf_inv3A_265 : vector<128x1024xf32>
    %erf_inv3A_267 = arith.constant 2.500000e+00 : f32
    %erf_inv3A_268 = vector.broadcast %erf_inv3A_267 : f32 to vector<128x1024xf32>
    %erf_inv3A_269 = arith.subf %erf_inv3A_263, %erf_inv3A_268 : vector<128x1024xf32>
    %erf_inv3A_270 = math.sqrt %erf_inv3A_263 : vector<128x1024xf32>
    %erf_inv3A_271 = arith.constant 3.000000e+00 : f32
    %erf_inv3A_272 = vector.broadcast %erf_inv3A_271 : f32 to vector<128x1024xf32>
    %erf_inv3A_273 = arith.subf %erf_inv3A_270, %erf_inv3A_272 : vector<128x1024xf32>
    %erf_inv3A_274 = arith.select %erf_inv3A_266, %erf_inv3A_269, %erf_inv3A_273 : vector<128x1024xi1>, vector<128x1024xf32>
    %erf_inv3A_275 = arith.constant 2.81022636E-8 : f32
    %erf_inv3A_276 = arith.constant -2.00214257E-4 : f32
    %erf_inv3A_277 = vector.broadcast %erf_inv3A_275 : f32 to vector<128x1024xf32>
    %erf_inv3A_278 = vector.broadcast %erf_inv3A_276 : f32 to vector<128x1024xf32>
    %erf_inv3A_279 = arith.select %erf_inv3A_266, %erf_inv3A_277, %erf_inv3A_278 : vector<128x1024xi1>, vector<128x1024xf32>
    %erf_inv3A_280 = arith.constant 3.43273939E-7 : f32
    %erf_inv3A_281 = arith.constant 1.00950558E-4 : f32
    %erf_inv3A_282 = vector.broadcast %erf_inv3A_280 : f32 to vector<128x1024xf32>
    %erf_inv3A_283 = vector.broadcast %erf_inv3A_281 : f32 to vector<128x1024xf32>
    %erf_inv3A_284 = arith.select %erf_inv3A_266, %erf_inv3A_282, %erf_inv3A_283 : vector<128x1024xi1>, vector<128x1024xf32>
    %erf_inv3A_285 = arith.mulf %erf_inv3A_279, %erf_inv3A_274 : vector<128x1024xf32>
    %erf_inv3A_286 = arith.addf %erf_inv3A_284, %erf_inv3A_285 : vector<128x1024xf32>
    %erf_inv3A_287 = arith.constant -3.5233877E-6 : f32
    %erf_inv3A_288 = arith.constant 0.00134934322 : f32
    %erf_inv3A_289 = vector.broadcast %erf_inv3A_287 : f32 to vector<128x1024xf32>
    %erf_inv3A_290 = vector.broadcast %erf_inv3A_288 : f32 to vector<128x1024xf32>
    %erf_inv3A_291 = arith.select %erf_inv3A_266, %erf_inv3A_289, %erf_inv3A_290 : vector<128x1024xi1>, vector<128x1024xf32>
    %erf_inv3A_292 = arith.mulf %erf_inv3A_286, %erf_inv3A_274 : vector<128x1024xf32>
    %erf_inv3A_293 = arith.addf %erf_inv3A_291, %erf_inv3A_292 : vector<128x1024xf32>
    %erf_inv3A_294 = arith.constant -4.39150654E-6 : f32
    %erf_inv3A_295 = arith.constant -0.00367342844 : f32
    %erf_inv3A_296 = vector.broadcast %erf_inv3A_294 : f32 to vector<128x1024xf32>
    %erf_inv3A_297 = vector.broadcast %erf_inv3A_295 : f32 to vector<128x1024xf32>
    %erf_inv3A_298 = arith.select %erf_inv3A_266, %erf_inv3A_296, %erf_inv3A_297 : vector<128x1024xi1>, vector<128x1024xf32>
    %erf_inv3A_299 = arith.mulf %erf_inv3A_293, %erf_inv3A_274 : vector<128x1024xf32>
    %erf_inv3A_300 = arith.addf %erf_inv3A_298, %erf_inv3A_299 : vector<128x1024xf32>
    %erf_inv3A_301 = arith.constant 2.1858087E-4 : f32
    %erf_inv3A_302 = arith.constant 0.00573950773 : f32
    %erf_inv3A_303 = vector.broadcast %erf_inv3A_301 : f32 to vector<128x1024xf32>
    %erf_inv3A_304 = vector.broadcast %erf_inv3A_302 : f32 to vector<128x1024xf32>
    %erf_inv3A_305 = arith.select %erf_inv3A_266, %erf_inv3A_303, %erf_inv3A_304 : vector<128x1024xi1>, vector<128x1024xf32>
    %erf_inv3A_306 = arith.mulf %erf_inv3A_300, %erf_inv3A_274 : vector<128x1024xf32>
    %erf_inv3A_307 = arith.addf %erf_inv3A_305, %erf_inv3A_306 : vector<128x1024xf32>
    %erf_inv3A_308 = arith.constant -0.00125372503 : f32
    %erf_inv3A_309 = arith.constant -0.0076224613 : f32
    %erf_inv3A_310 = vector.broadcast %erf_inv3A_308 : f32 to vector<128x1024xf32>
    %erf_inv3A_311 = vector.broadcast %erf_inv3A_309 : f32 to vector<128x1024xf32>
    %erf_inv3A_312 = arith.select %erf_inv3A_266, %erf_inv3A_310, %erf_inv3A_311 : vector<128x1024xi1>, vector<128x1024xf32>
    %erf_inv3A_313 = arith.mulf %erf_inv3A_307, %erf_inv3A_274 : vector<128x1024xf32>
    %erf_inv3A_314 = arith.addf %erf_inv3A_312, %erf_inv3A_313 : vector<128x1024xf32>
    %erf_inv3A_315 = arith.constant -0.00417768164 : f32
    %erf_inv3A_316 = arith.constant 0.00943887047 : f32
    %erf_inv3A_317 = vector.broadcast %erf_inv3A_315 : f32 to vector<128x1024xf32>
    %erf_inv3A_318 = vector.broadcast %erf_inv3A_316 : f32 to vector<128x1024xf32>
    %erf_inv3A_319 = arith.select %erf_inv3A_266, %erf_inv3A_317, %erf_inv3A_318 : vector<128x1024xi1>, vector<128x1024xf32>
    %erf_inv3A_320 = arith.mulf %erf_inv3A_314, %erf_inv3A_274 : vector<128x1024xf32>
    %erf_inv3A_321 = arith.addf %erf_inv3A_319, %erf_inv3A_320 : vector<128x1024xf32>
    %erf_inv3A_322 = arith.constant 0.246640727 : f32
    %erf_inv3A_323 = arith.constant 1.00167406 : f32
    %erf_inv3A_324 = vector.broadcast %erf_inv3A_322 : f32 to vector<128x1024xf32>
    %erf_inv3A_325 = vector.broadcast %erf_inv3A_323 : f32 to vector<128x1024xf32>
    %erf_inv3A_326 = arith.select %erf_inv3A_266, %erf_inv3A_324, %erf_inv3A_325 : vector<128x1024xi1>, vector<128x1024xf32>
    %erf_inv3A_327 = arith.mulf %erf_inv3A_321, %erf_inv3A_274 : vector<128x1024xf32>
    %erf_inv3A_328 = arith.addf %erf_inv3A_326, %erf_inv3A_327 : vector<128x1024xf32>
    %erf_inv3A_329 = arith.constant 1.50140941 : f32
    %erf_inv3A_330 = arith.constant 2.83297682 : f32
    %erf_inv3A_331 = vector.broadcast %erf_inv3A_329 : f32 to vector<128x1024xf32>
    %erf_inv3A_332 = vector.broadcast %erf_inv3A_330 : f32 to vector<128x1024xf32>
    %erf_inv3A_333 = arith.select %erf_inv3A_266, %erf_inv3A_331, %erf_inv3A_332 : vector<128x1024xi1>, vector<128x1024xf32>
    %erf_inv3A_334 = arith.mulf %erf_inv3A_328, %erf_inv3A_274 : vector<128x1024xf32>
    %erf_inv3A_335 = arith.addf %erf_inv3A_333, %erf_inv3A_334 : vector<128x1024xf32>
    %erf_inv3A_336 = math.absf %max3A_256 : vector<128x1024xf32>
    %erf_inv3A_337 = arith.constant 1.000000e+00 : f32
    %erf_inv3A_338 = vector.broadcast %erf_inv3A_337 : f32 to vector<128x1024xf32>
    %erf_inv3A_339 = arith.cmpf oeq, %erf_inv3A_336, %erf_inv3A_338 : vector<128x1024xf32>
    %erf_inv3A_340 = arith.constant 0x7F800000 : f32
    %erf_inv3A_341 = vector.broadcast %erf_inv3A_340 : f32 to vector<128x1024xf32>
    %erf_inv3A_342 = arith.mulf %erf_inv3A_341, %max3A_256 : vector<128x1024xf32>
    %erf_inv3A_343 = arith.mulf %erf_inv3A_335, %max3A_256 : vector<128x1024xf32>
    %erf_inv3A_344 = arith.select %erf_inv3A_339, %erf_inv3A_342, %erf_inv3A_343 : vector<128x1024xi1>, vector<128x1024xf32>
    %mul3A_345 = arith.constant 1.41421354 : f32
    %mul3A_346 = vector.broadcast %mul3A_345 : f32 to vector<128x1024xf32>
    %mul3A_347 = arith.mulf %mul3A_346, %erf_inv3A_344 : vector<128x1024xf32>
    %mul3A_348 = arith.constant 1.000000e-03 : f32
    %mul3A_349 = vector.broadcast %mul3A_348 : f32 to vector<128x1024xf32>
    %mul3A_350 = arith.mulf %mul3A_347, %mul3A_349 : vector<128x1024xf32>
    %get3A_351 = arith.constant 0 : index
    %get3A_352 = arith.constant 0 : index
    %get3A_353 = vector.load %arg3[%get3A_351, %get3A_352] : memref<1x1024xf32, #tpu.memory_space<vmem>>, vector<1x1024xf32>
    %get3A_354 = vector.shape_cast %get3A_353 : vector<1x1024xf32> to vector<1024xf32>
    %broadcast_in_dim3A_355 = vector.shape_cast %get3A_354 : vector<1024xf32> to vector<1x1024xf32>
    %add3A_356 = vector.broadcast %broadcast_in_dim3A_355 : vector<1x1024xf32> to vector<128x1024xf32>
    %add3A_357 = arith.addf %add3A_356, %mul3A_350 : vector<128x1024xf32>
    %slice3A = vector.extract_strided_slice %add3A_357 {offsets = [0, 0], sizes = [128, 256], strides = [1, 1]} : vector<128x1024xf32> to vector<128x256xf32>
    %reduce_min3A = arith.constant dense<0x7F800000> : vector<128xf32>
    %reduce_min3A_358 = vector.multi_reduction <minimumf>, %slice3A, %reduce_min3A [1] : vector<128x256xf32> to vector<128xf32>
    %broadcast_in_dim3A_359 = vector.shape_cast %reduce_min3A_358 : vector<128xf32> to vector<128x1xf32>
    %reduce_max3A = arith.constant dense<0xFF800000> : vector<128xf32>
    %reduce_max3A_360 = vector.multi_reduction <maximumf>, %slice3A, %reduce_max3A [1] : vector<128x256xf32> to vector<128xf32>
    %broadcast_in_dim3A_361 = vector.shape_cast %reduce_max3A_360 : vector<128xf32> to vector<128x1xf32>
    %sub3A_362 = arith.subf %broadcast_in_dim3A_361, %broadcast_in_dim3A_359 : vector<128x1xf32>
    %add3A_363 = arith.constant 9.99999993E-9 : f32
    %add3A_364 = vector.broadcast %add3A_363 : f32 to vector<128x1xf32>
    %add3A_365 = arith.addf %sub3A_362, %add3A_364 : vector<128x1xf32>
    %mul3A_366 = arith.constant 3.000000e-01 : f32
    %mul3A_367 = vector.broadcast %mul3A_366 : f32 to vector<128x1xf32>
    %mul3A_368 = arith.mulf %mul3A_367, %add3A_365 : vector<128x1xf32>
    %add3A_369 = arith.addf %broadcast_in_dim3A_359, %mul3A_368 : vector<128x1xf32>
    %get3A_370 = arith.constant 0 : index
    %get3A_371 = arith.constant 0 : index
    %get3A_372 = vector.load %arg1[%get3A_370, %get3A_371] : memref<1x15069xf32, #tpu.memory_space<vmem>>, vector<1x15069xf32>
    %get3A_373 = vector.shape_cast %get3A_372 : vector<1x15069xf32> to vector<15069xf32>
    %broadcast_in_dim3A_374 = vector.shape_cast %get3A_373 : vector<15069xf32> to vector<1x15069xf32>
    %gt3A = vector.broadcast %broadcast_in_dim3A_374 : vector<1x15069xf32> to vector<128x15069xf32>
    %gt3A_375 = vector.broadcast %add3A_369 : vector<128x1xf32> to vector<128x15069xf32>
    %gt3A_376 = arith.cmpf ogt, %gt3A, %gt3A_375 : vector<128x15069xf32>
    %convert_element_type3A = arith.extui %gt3A_376 : vector<128x15069xi1> to vector<128x15069xi32>
    %convert_element_type3A_377 = arith.sitofp %convert_element_type3A : vector<128x15069xi32> to vector<128x15069xf32>
    %swap3A = arith.constant 0 : index
    %swap3A_378 = arith.constant 0 : index
    %swap3A_379 = vector.load %arg5[%swap3A, %swap3A_378] : memref<128x15069xf32, #tpu.memory_space<vmem>>, vector<128x15069xf32>
    tpu.vector_store %arg5[%swap3A, %swap3A_378], %convert_element_type3A_377 {strides = array<i32>} : memref<128x15069xf32, #tpu.memory_space<vmem>>, vector<128x15069xf32>,
    %slice3A_380 = vector.extract_strided_slice %add3A_357 {offsets = [0, 256], sizes = [128, 204], strides = [1, 1]} : vector<128x1024xf32> to vector<128x204xf32>
    %slice3A_381 = vector.extract_strided_slice %add3A_357 {offsets = [0, 512], sizes = [128, 204], strides = [1, 1]} : vector<128x1024xf32> to vector<128x204xf32>
    %slice3A_382 = vector.extract_strided_slice %add3A_357 {offsets = [0, 768], sizes = [128, 204], strides = [1, 1]} : vector<128x1024xf32> to vector<128x204xf32>
    %get3A_383 = arith.constant 0 : index
    %get3A_384 = arith.constant 0 : index
    %get3A_385 = vector.load %arg4[%get3A_383, %get3A_384] : memref<1x768xf32, #tpu.memory_space<vmem>>, vector<1x768xf32>
    %get3A_386 = vector.shape_cast %get3A_385 : vector<1x768xf32> to vector<768xf32>
    %slice3A_387 = vector.extract_strided_slice %get3A_386 {offsets = [0], sizes = [204], strides = [1]} : vector<768xf32> to vector<204xf32>
    %broadcast_in_dim3A_388 = vector.shape_cast %slice3A_387 : vector<204xf32> to vector<1x204xf32>
    %get3A_389 = arith.constant 0 : index
    %get3A_390 = arith.constant 0 : index
    %get3A_391 = vector.load %arg4[%get3A_389, %get3A_390] : memref<1x768xf32, #tpu.memory_space<vmem>>, vector<1x768xf32>
    %get3A_392 = vector.shape_cast %get3A_391 : vector<1x768xf32> to vector<768xf32>
    %slice3A_393 = vector.extract_strided_slice %get3A_392 {offsets = [256], sizes = [204], strides = [1]} : vector<768xf32> to vector<204xf32>
    %broadcast_in_dim3A_394 = vector.shape_cast %slice3A_393 : vector<204xf32> to vector<1x204xf32>
    %get3A_395 = arith.constant 0 : index
    %get3A_396 = arith.constant 0 : index
    %get3A_397 = vector.load %arg4[%get3A_395, %get3A_396] : memref<1x768xf32, #tpu.memory_space<vmem>>, vector<1x768xf32>
    %get3A_398 = vector.shape_cast %get3A_397 : vector<1x768xf32> to vector<768xf32>
    %slice3A_399 = vector.extract_strided_slice %get3A_398 {offsets = [512], sizes = [204], strides = [1]} : vector<768xf32> to vector<204xf32>
    %broadcast_in_dim3A_400 = vector.shape_cast %slice3A_399 : vector<204xf32> to vector<1x204xf32>
    %mul3A_401 = vector.broadcast %broadcast_in_dim3A_388 : vector<1x204xf32> to vector<128x204xf32>
    %mul3A_402 = arith.mulf %slice3A_380, %mul3A_401 : vector<128x204xf32>
    %mul3A_403 = vector.broadcast %broadcast_in_dim3A_394 : vector<1x204xf32> to vector<128x204xf32>
    %mul3A_404 = arith.mulf %slice3A_381, %mul3A_403 : vector<128x204xf32>
    %add3A_405 = arith.addf %mul3A_402, %mul3A_404 : vector<128x204xf32>
    %mul3A_406 = vector.broadcast %broadcast_in_dim3A_400 : vector<1x204xf32> to vector<128x204xf32>
    %mul3A_407 = arith.mulf %slice3A_382, %mul3A_406 : vector<128x204xf32>
    %add3A_408 = arith.addf %add3A_405, %mul3A_407 : vector<128x204xf32>
    %swap3A_409 = arith.constant 0 : index
    %swap3A_410 = arith.constant 0 : index
    %swap3A_411 = vector.load %arg6[%swap3A_409, %swap3A_410] : memref<128x204xf32, #tpu.memory_space<vmem>>, vector<128x204xf32>
    tpu.vector_store %arg6[%swap3A_409, %swap3A_410], %add3A_408 {strides = array<i32>} : memref<128x204xf32, #tpu.memory_space<vmem>>, vector<128x204xf32>,
    return
  }
  func.func @transform_0(%arg0: i32) -> (i32, i32) {
    %c0_i32 = arith.constant 0 : i32
    %c0_i32_0 = arith.constant 0 : i32
    %c0_i32_1 = arith.constant 0 : i32
    return %c0_i32, %c0_i32_0 : i32, i32
  }
  func.func @transform_1(%arg0: i32) -> (i32, i32) {
    %c0_i32 = arith.constant 0 : i32
    %c0_i32_0 = arith.constant 0 : i32
    %c0_i32_1 = arith.constant 0 : i32
    return %c0_i32, %c0_i32_0 : i32, i32
  }
  func.func @transform_2(%arg0: i32) -> (i32, i32) {
    %c0_i32 = arith.constant 0 : i32
    %c0_i32_0 = arith.constant 0 : i32
    %c0_i32_1 = arith.constant 0 : i32
    return %c0_i32, %c0_i32_0 : i32, i32
  }
  func.func @transform_3(%arg0: i32) -> (i32, i32) {
    %c0_i32 = arith.constant 0 : i32
    %c0_i32_0 = arith.constant 0 : i32
    %c0_i32_1 = arith.constant 0 : i32
    return %c0_i32, %c0_i32_0 : i32, i32
  }
  func.func @transform_4(%arg0: i32) -> (i32, i32) {
    %c0_i32 = arith.constant 0 : i32
    %c0_i32_0 = arith.constant 0 : i32
    return %arg0, %c0_i32 : i32, i32
  }
  func.func @transform_5(%arg0: i32) -> (i32, i32) {
    %c0_i32 = arith.constant 0 : i32
    %c0_i32_0 = arith.constant 0 : i32
    return %arg0, %c0_i32 : i32, i32
  }
}

</mosaic_0001>

<sc_bundles>
// kernel: sparse-core-data-format-call.cloned.1.call-start
scs
called_computation_lowered:
.L_overlay_start_0:
0x0: {  	s2 =	sld [smem:$0x3FD9]  }
0x1: {  	s3 =	sld [smem:$0x3FFE];
	_ =	sdelay $0x1  }
0x2: {  	s1 =	srdreg.scid  }
0x3: {  	s0 =	sand.u32 $0x1, s1  }
0x4: {  	s15 =	sshll.u32 s0, $0xA;
	s2 =	sadd.s32 s3, s2  }
0x5: {  	s2 =	sadd.s32 s2, s15  }
0x6: {  	[smem:$0x3FC4] =	sst s2  }
0x7: {  	_ = 	snop  }
0x8: {  	s2 =	sld [smem:$0x3FD0];
	_ =	sdelay $0x2  }
0x9: {  	s16 =	simm.s32 $0xA;
	s4 =	simm.s32 $0x10  }
0xa: {  	[smem:s4], [sflag:s16] =	dma.local [hbm:s2], $0x1  }
0xb: {  	_ =	swait.eq [sflag:s16], $0x1  }
0xc: {  	[sflag:s16] =	ssyncset.done $0x0  }
0xd: {  	[sflag:s16] =	ssyncadd.s32 $0xFFFFFFFF  }
0xe: {  	s17 =	sld [smem:$0x10];
	(tm) =	ssettm $0x1  }
0xf: {  	s18 =	sld [smem:$0x3FFB];
	_ =	sdelay $0x3  }
0x10: {  	_ =	strace s18  }
0x11: {  	s3 =	sld [smem:$0x3FFC];
	_ =	sdelay $0x3  }
0x12: {  	_ =	strace s3  }
0x13: {  	s3 =	sld [smem:$0x3FFD];
	_ =	sdelay $0x3  }
0x14: {  	_ =	strace s3  }
0x15: {  	_ =	strace $0x8FFFFFFF  }
0x16: {  	s19 =	sld [smem:$0x3FDB];
	_ =	sdelay $0x1  }
0x17: {  	s20 =	simm.s32 $_scs_section_size  }
0x18: {  	s5 =	simm.s32 $_size__tile_overlayer_lowered;
	s6 =	simm.s32 $_tile_overlayer_lowered  }
0x19: {  	s23 =	simm.s32 $0x1BFF;
	s22 =	sshll.u32 s6, $0x1;
	s3 =	sadd.s32 s20, s19  }
0x1a: {  	s7 =	simm.s32 $0x0;
	s21 =	sshll.u32 s5, $0x1;
	s5 =	sadd.s32 s22, s3  }
0x1b: {  	[timem:s7], [sflag:s23] =	dma.local [hbm:s5], s21  }
0x1c: {  	_ =	swait.ge [sflag:s23], s21  }
0x1d: {  	s4 =	ssub.s32 $0x0, s21;
	[sflag:s23] =	ssyncset.done $0x0  }
0x1e: {  	[sflag:s23] =	ssyncadd.s32 s4;
	_ =	sdelay $0x1  }
0x1f: {  	s24 =	simm.s32 $0x1B8B  }
0x20: {  	_ =	swait.ge [sflag:s24], $0x1  }
0x21: {  	[sflag:s24] =	ssyncset.done $0x0  }
0x22: {  	s26 =	simm.s32 $0x1B8E;
	s25 =	sld [smem:$0x3FFE];
	[sflag:s24] =	ssyncadd.s32 $0xFFFFFFFF  }
0x23: {  	s27 =	simm.s32 $execute0_lowered;
	[smem:$0x3FD2] =	sst s26  }
0x24: {  	s5 =	sshll.u32 s27, $0x1;
	_ =	strace $0x80000046;
	[dreg:$0x1] =	wrdreg $0xFFFFFFFF  }
0x25: {  	s28 =	simm.s32 $_size_execute0_lowered;
	s3 =	sadd.s32 s3, s5;
	[dreg:$0x0] =	wrdreg $0x0  }
0x26: {  	s5 =	sshll.u32 s28, $0x1;
	[dreg:$0x2] =	wrdreg s3  }
0x27: {  	[dreg:$0x3] =	wrdreg s5  }
0x28: {  	[dreg:$0x4] =	wrdreg $0xC0  }
0x29: {  	_ =	task [dreg:s7], $0x5FFFF  }
0x2a: {  	[dreg:$0x1] =	wrdreg $0xFFFFFFFF  }
0x2b: {  	[dreg:$0x0] =	wrdreg $0x60  }
0x2c: {  	[dreg:$0x2] =	wrdreg s25  }
0x2d: {  	[dreg:$0x3] =	wrdreg s17  }
0x2e: {  	[dreg:$0x4] =	wrdreg $0x9  }
0x2f: {  	_ =	task.clear_ibuf [dreg:s7], $0x5FFFF;
	_ =	strace $0x90000046  }
0x30: {  	s29 =	simm.s32 $0x9;
	_ =	strace $0x80000048  }
0x31: {  	_ =	swait.ge [sflag:s29], $0x1  }
0x32: {  	[sflag:s29] =	ssyncadd.s32 $0xFFFFFFFF  }
0x33: {  	_ =	strace $0x90000048  }
0x34: {  	_ =	sfence  }
0x35: {  	s30 =	sld [smem:$0x0];
	_ =	sdelay $0x2  }
0x36: {  	s31 =	sshll.u32 s1, $0xD;
	s1 =	sshrl.u32 s1, $0x2  }
0x37: {  	s3 =	sand.u32 $0x4000, s31;
	s1 =	sadd.s32 s1, s30  }
0x38: {  	s0 =	sor.u32 s3, s0;
	s1 =	sshll.u32 s1, $0x11  }
0x39: {  	s0 =	sor.u32 s1, s0  }
0x3a: {  	s0 =	sadd.s32 $0x8F2B, s0  }
0x3b: {  	[sflag:s0] =	ssyncadd.remote.s32 $0x1  }
0x3c: {  	_ =	sfence.sel $0xFFFF  }
0x3d: {  	[dreg:$0x0] =	wrdreg $0xFFFFFFFF;
	(pc) =	sbr.abs _section_cstart, $3  }
0x3e: {  	[dreg:$0x1] =	wrdreg $0xFFFFFFFF  }
0x3f: {  	_ =	task.clear_ibuf [dreg:s7], $0x2FFFF;
	_ =	strace $0x9FFFFFFF  }
0x40: {  	(tm) =	ssettm $0x7FFFFFFF  }
0x41: {  	_ =	shalt  }
tec
execute0_lowered:
.L_overlay_start_1:
0x0: {  	(tag) =	ssettag $0x1  }
0x1: {  	s4 =	rddreg [dreg:$0x0]  }
0x2: {  	s0 =	srdreg.scid;
	s2 =	rddreg [dreg:$0x1];
	s10 =	simm.s32 $0x0  }
0x3: {  	s11 =	simm.s32 $0x2;
	s15 =	simm.s32 $0x0;
	s17 =	simm.s32 $0x0  }
0x4: {  	s18 =	simm.s32 $0x0;
	s12 =	simm.s32 $0x0;
	s1 =	sshll.u32 s0, $0x4  }
0x5: {  	s13 =	simm.s32 $0x0;
	s0 =	stileid.u32;
	s1 =	sand.u32 $0x10, s1  }
0x6: {  	s14 =	simm.s32 $0x0;
	s16 =	simm.s32 $0x0;
	s6 =	sor.u32 s0, s1  }
0x7: {  	s3 =	sshll.u32 s0, $0x4;
	s1 =	rddreg [dreg:$0x2];
	s5 =	sshll.u32 s6, $0x5  }
0x8: {  	_ =	strace $0x80000047;
	s7 =	sand.u32 $0x70, s3;
	s3 =	sand.u32 $0x380, s5  }
0x9: {  	s7 =	sadd.s32 s7, s4;
	s4 =	simm.s32 $0x1;
	s8 =	ssub.s32 $0x400, s3  }
0xa: {  	s30 =	sshll.u32 s6, $0x4;
	s5 =	sand.u32 $0x3, s0;
	s9 =	sand.u32 $0x380, s8  }
0xb: {  	p0 =	seq.s32 s5, $0x3;
	p1 =	sne.s32 s9, $0x0;
	s9 =	simm.s32 $0x1  }
.Ltmp0:
0xc: {  	s8 =	sshrl.u32 s8, $0xA;
	s9 =	simm.s32 @!p1 $0x0;
	(pc) =	sbr.rel .LBB1_1-.Ltmp0, $4  }
0xd: {  	s31 =	sand.u32 $0x180, s30;
	s10 =	simm.s32 @!p0 $0x28;
	s8 =	sadd.s32 s9, s8  }
0xe: {  	[sflag:s4] =	ssyncpa.u1 $0x0;
	s7 =	sadd.s32 s31, s7;
	s6 =	smul.u32 s10, s8  }
0xf: {  	[sflag:s11] =	ssyncpa.u1 $0x0;
	s11 =	simm.s32 $0x0;
	s7 =	sadd.s32 $0x1E0000, s7  }
0x10: {  	s9 =	simm.s32 $0x400;
	s10 =	simm.s32 $0x2000;
	s8 =	sor.u32 $0x1, s6  }
.LBB1_9:
0x11: {  	s20 =	sshll.u32 s13, $0xA;
	s18 =	sshll.u32 s18, $0x3;
	p0 =	sgt.s32 s13, $0x1320  }
0x12: {  	s22 =	smov.u32 s12;
	s29 =	smul.u32 $0x9D000, s12;
	s20 =	sand.u32 $0xFFFFE000, s20  }
0x13: {  	s30 =	sshll.u32 s13, $0x4;
	s18 =	sor.u32 s20, s18;
	s20 =	smov.u32 s13  }
0x14: {  	s31 =	sshll.u32 s16, $0xE;
	s18 =	sshrl.u32 s18, $0xA;
	s20 =	simm.s32 @!p0 $0x1320  }
0x15: {  	p0 =	sgt.s32 s12, $0x2;
	s21 =	smulhi.u32 $0xD0B6A, s18;
	s19 =	sadd.s32 s19, s20  }
0x16: {  	s22 =	simm.s32 @!p0 $0x2;
	s27 =	sadd.s32 $0xFFFFECE0, s19;
	s19 =	ssub.s32 $0x13A0, s19  }
0x17: {  	s28 =	sshll.u32 s22, $0x7;
	s26 =	smul.u32 $0x13A0, s21;
	p0 =	sgt.s32 s27, $0x7F  }
0x18: {  	s20 =	sand.u32 $0x70, s30;
	s21 =	sxor.u32 $0x180, s28;
	s19 =	simm.s32 @p0 $0x0  }
0x19: {  	s22 =	sadd.s32 s2, s29;
	s18 =	ssub.s32 s18, s26;
	s19 =	smul.u32 s19, s21  }
0x1a: {  	s20 =	sadd.s32 s20, s22;
	s21 =	sand.u32 $0x4000, s31;
	s18 =	sshll.u32 s18, $0x7  }
0x1b: {  	s21 =	sor.u32 $0x8000, s21;
	s19 =	sand.u32 $0x3FFFFF80, s19;
	s18 =	sadd.s32 s18, s20  }
0x1c: {  	[hbm4b:s18+s9] =	stream.strided.scatter [tilespmem:s21], [sflag:$0x2], s19, s10, s9, $0x38;
	[tilespmem:$0x10000] =	vst v63  }
.LBB1_10:
0x1d: {  	p0 =	slt.u32 s16, $0x2  }
0x1e: {  	p1 =	sgt.s32 @!p0 s17, $0x1320  }
0x1f: {  	s18 =	smov.u32 s17;
	s19 =	sshra.s32 @!p0 s17, $0x1F;
	p1 =	por !p1, p0  }
0x20: {  	p2 =	sgt.s32 @!p0 s15, $0x2;
	s17 =	sand.u32 @!p0 s19, s17;
	s18 =	simm.s32 @p1 $0x1320  }
0x21: {  	p1 =	por !p2, p0;
	s17 =	ssub.s32 @!p0 s18, s17  }
0x22: {  	s21 =	sadd.s32 $0x1, s16;
	s15 =	simm.s32 @p1 $0x2;
	s18 =	sadd.s32 @!p0 $0xFFFFECE0, s17  }
0x23: {  	s19 =	sadd.s32 $0x80, s14;
	s15 =	sshll.u32 @!p0 s15, $0x7;
	p2 =	sgt.s32 @!p0 s18, $0x7F  }
0x24: {  	s17 =	ssub.s32 @!p0 $0x13A0, s17;
	s15 =	ssub.s32 @!p0 $0x180, s15;
	p2 =	por !p2, p0  }
0x25: {  	s15 =	simm.s32 @!p1 $0x0;
	p1 =	sgt.s32 s19, $0x139E;
	s17 =	simm.s32 @!p2 $0x0  }
0x26: {  	s19 =	simm.s32 @p1 $0x0;
	p1 =	sne.s32 s16, s8;
	s15 =	smul.u32 @!p0 s17, s15  }
.Ltmp1:
0x27: {  	s11 =	sadd.s32 $0x4000, s11;
	s18 =	simm.s32 @!p0 $0x2;
	(pc) =	sbr.rel @!p1 .LBB1_11-.Ltmp1, $4  }
0x28: {  	s16 =	smov.u32 s21;
	s17 =	smov.u32 s13;
	s15 =	sand.u32 @!p0 $0x3FFFFF80, s15  }
0x29: {  	s13 =	smov.u32 s14;
	s14 =	smov.u32 s19;
	_ =	swait.ge @!p0 [sflag:s18], s15  }
0x2a: {  	s20 =	ssub.s32 @!p0 $0x0, s15;
	s15 =	smov.u32 s12;
	[sflag:s18] =	ssyncset.done @!p0 $0x0  }
0x2b: {  	s12 =	smov.u32 s5;
	[sflag:s18] =	ssyncadd.s32 @!p0 s20;
	s18 =	smov.u32 s3  }
.LBB1_1:
0x2c: {  	p0 =	sge.u32 s16, s6  }
0x2d: {  	p1 =	sgt.s32 @!p0 s14, $0x131F  }
0x2e: {  	s19 =	smov.u32 s14;
	s20 =	sshra.s32 @!p0 s14, $0x1F;
	p1 =	por !p1, p0  }
0x2f: {  	s20 =	sand.u32 @!p0 s20, s14;
	s19 =	simm.s32 @p1 $0x131F  }
0x30: {  	s19 =	ssub.s32 @!p0 s19, s20  }
0x31: {  	s31 =	sadd.s32 $0xFFFFFFFF, s16;
	s21 =	sxor.u32 @!p0 $0xFFFFFFFF, s16;
	s19 =	sadd.s32 @!p0 $0xFFFFECE1, s19  }
0x32: {  	s22 =	simm.s32 @!p0 $0x80;
	s23 =	simm.s32 @!p0 $0x1000;
	s20 =	sshll.u32 @!p0 s19, $0x7  }
0x33: {  	p1 =	sgt.s32 @!p0 s19, $0x7F;
	s19 =	ssub.s32 @!p0 $0x4000, s20;
	s20 =	sshll.u32 @!p0 s21, $0xE  }
0x34: {  	p1 =	por !p1, p0;
	s21 =	sshll.u32 @!p0 s14, $0x9;
	s19 =	sand.u32 @!p0 $0x3FFFFF80, s19  }
0x35: {  	s20 =	sand.u32 @!p0 $0x4000, s20;
	s21 =	sadd.s32 @!p0 s21, s7;
	s19 =	simm.s32 @!p1 $0x0  }
0x36: {  	[tilespmem:s20], [sflag:$0x1] =	stream.strided.gather @!p0 [hbm4b:s21+s22], s19, s23, s22, $0x38;
	[tilespmem:$0x10000] =	vst v63  }
0x37: {  	p0 =	sge.u32 s31, s6  }
.Ltmp2:
0x38: {  	_ = 	snop;
	(pc) =	sbr.rel @p0 .LBB1_10-.Ltmp2, $1  }
0x39: {  	_ =	sdelay $0x3  }
0x3a: {  	s19 =	ssub.s32 $0x0, s13  }
0x3b: {  	s20 =	sshra.s32 s13, $0x1F;
	p0 =	sgt.s32 s13, $0x131F;
	s21 =	smov.u32 s13  }
0x3c: {  	s19 =	sand.u32 s19, s20;
	s21 =	simm.s32 @!p0 $0x131F  }
0x3d: {  	s20 =	sadd.s32 s19, s21  }
0x3e: {  	s21 =	sadd.s32 $0x80, s13;
	s20 =	sadd.s32 $0xFFFFECE1, s20  }
0x3f: {  	p0 =	slt.s32 s21, $0x139F;
	s22 =	sshll.u32 s20, $0x7  }
0x40: {  	s21 =	simm.s32 @!p0 $0x139F;
	s22 =	ssub.s32 $0x4000, s22  }
0x41: {  	p0 =	sgt.s32 s20, $0x7F;
	s20 =	ssub.s32 s21, s13;
	s22 =	sand.u32 $0x3FFFFF80, s22  }
0x42: {  	s22 =	simm.s32 @p0 $0x0;
	p0 =	slt.s32 s20, $0x1  }
0x43: {  	p1 =	seq.s32 @!p0 s12, $0x3  }
0x44: {  	p0 =	por p0, p1  }
.Ltmp3:
0x45: {  	_ = 	snop;
	(pc) =	sbr.rel @p0 .LBB1_9-.Ltmp3, $4  }
0x46: {  	_ = 	snop  }
0x47: {  	_ =	swait.ge [sflag:s4], s22  }
0x48: {  	s31 =	ssub.s32 $0x0, s22;
	[sflag:s4] =	ssyncset.done $0x0  }
0x49: {  	[sflag:s4] =	ssyncadd.s32 s31  }
0x4a: {  	p0 =	slt.s32 s12, $0x2;
	s21 =	smov.u32 s12;
	s22 =	sshll.u32 s11, $0x2  }
0x4b: {  	s24 =	simm.s32 $0x0;
	s21 =	simm.s32 @!p0 $0x2;
	s23 =	sand.u32 $0x10000, s22  }
0x4c: {  	s31 =	ssub.s32 s21, s12;
	s21 =	sshrl.u32 s23, $0x2;
	s23 =	sshrl.u32 s23, $0x2  }
0x4d: {  	s25 =	simm.s32 $0x0;
	s22 =	sadd.s32 $0x1, s31;
	s23 =	sor.u32 $0x8000, s23  }
.LBB1_4:
0x4e: {  	s26 =	sand.u32 $0x3F80, s24  }
0x4f: {  	s27 =	smov.u32 s21;
	s28 =	simm.s32 $0x0;
	s26 =	sadd.s32 s26, s23  }
.LBB1_5:
0x50: {  	s29 =	simm.s32 $0xFFFFFFF0;
	s30 =	smov.u32 s27;
	s31 =	smov.u32 s26  }
.LBB1_6:
0x51: {  	s29 =	sadd.s32 $0x10, s29  }
0x52: {  	v0 =	vld [tilespmem:s30+$0x0];
	p0 =	slt.u32 s29, $0x70  }
.Ltmp4:
0x53: {  	_ = 	snop;
	(pc) =	sbr.rel @p0 .LBB1_6-.Ltmp4, $2  }
0x54: {  	_ =	sdelay $0x2  }
0x55: {  	s30 =	sadd.s32 $0x10, s30;
	[tilespmem:s31+$0x0] =	vst v0;
	s31 =	sadd.s32 $0x10, s31  }
0x56: {  	s28 =	sadd.s32 $0x1, s28  }
0x57: {  	p0 =	sne.s32 s28, s22  }
.Ltmp5:
0x58: {  	_ = 	snop;
	(pc) =	sbr.rel @p0 .LBB1_5-.Ltmp5, $2  }
0x59: {  	_ =	sdelay $0x2  }
0x5a: {  	s26 =	sadd.s32 $0x4000, s26;
	s27 =	sadd.s32 $0x80, s27  }
0x5b: {  	s25 =	sadd.s32 $0x1, s25  }
0x5c: {  	p0 =	sne.s32 s25, s20  }
.Ltmp6:
0x5d: {  	_ = 	snop;
	(pc) =	sbr.rel @p0 .LBB1_4-.Ltmp6, $4  }
.Ltmp7:
0x5e: {  	_ = 	snop;
	(pc) =	sbr.rel @!p0 .LBB1_9-.Ltmp7, $4  }
0x5f: {  	_ = 	snop  }
0x60: {  	_ = 	snop  }
0x61: {  	s24 =	sadd.s32 $0x80, s24;
	s21 =	sadd.s32 $0x80, s21  }
0x62: {  	_ = 	snop  }
.LBB1_11:
0x63: {  	_ =	sfence.sel $0x180000  }
0x64: {  	s2 =	simm.s32 $0x1;
	[bflag:$0x0] =	sbarrier.arrive $0xFFFF  }
0x65: {  	s31 =	simm.s32 $0x2;
	[sflag:s2] =	ssyncpa.u1 $0x1  }
0x66: {  	[sflag:s31] =	ssyncpa.u1 $0x1  }
0x67: {  	p0 =	sne.s32 s0, $0x0;
	_ =	strace $0x90000047  }
0x68: {  	s0 =	sadd.s32 @!p0 $0x100000, s1;
	[bflag:$0x2] =	sbarrier.arrive $0xFFFF  }
0x69: {  	[sflag:s0] =	ssyncadd.tile.s32 @!p0 $0x1;
	_ =	shalt  }
.Lfunc_end1:
_tile_overlayer_lowered:
.L_overlay_start_2:
0x6a: {  	(tag) =	ssettag $0x2  }
0x6b: {  	s0 =	rddreg [dreg:$0x0];
	s2 =	stileid.u32  }
0x6c: {  	s1 =	rddreg [dreg:$0x1];
	p0 =	sne.s32 s2, $0x0  }
0x6d: {  	s3 =	rddreg [dreg:$0x2];
	[bflag:$0x3] =	sbarrier.arrive $0xFFFF;
	s2 =	simm.s32 @!p0 $0x1C01  }
0x6e: {  	[timem:s3], [sflag:s2] =	dma.local @!p0 [hbm:s0], s1  }
0x6f: {  	s0 =	simm.s32 @!p0 $0x1  }
0x70: {  	_ =	swait.ge @!p0 [sflag:s0], s1  }
0x71: {  	s1 =	ssub.s32 @!p0 $0x0, s1;
	[sflag:s0] =	ssyncset.done @!p0 $0x0  }
0x72: {  	[sflag:s0] =	ssyncadd.s32 @!p0 s1  }
0x73: {  	[bflag:$0x3] =	sbarrier.arrive $0xFFFF  }
0x74: {  	_ =	shalt  }

</sc_bundles>
